<compile_context>
chip_gen: v7x
topology: tpu7x:2x2x1
jax: 0.10.2.dev20260603
libtpu: 0.0.44.dev20260713+nightly
codegen_flags: <defaults>
</compile_context>

<pallas_src>
import functools

import jax
import jax.numpy as jnp
from jax import lax
from jax.experimental import pallas as pl
from jax.experimental.pallas import tpu as pltpu
from jax.experimental.pallas import tpu_sc as plsc

VOCAB = 100000
EMBED_DIM = 128
BATCH = 4096
FIELDS = 26

TOT = BATCH * FIELDS
NUM_CORES = 2
NUM_SUBCORES = 16
NW = NUM_CORES * NUM_SUBCORES
B_PER_W = TOT // NW
CHUNK = 208
N_CHUNKS = B_PER_W // CHUNK
NBUF = 3

_mesh = plsc.VectorSubcoreMesh(core_axis_name="c", subcore_axis_name="s")

_scratch = (
    [pltpu.VMEM((B_PER_W,), jnp.int32)]
    + [pltpu.VMEM((CHUNK, EMBED_DIM), jnp.float32) for _ in range(NBUF)]
    + [pltpu.SemaphoreType.DMA for _ in range(2 * NBUF)]
)


@functools.partial(
    pl.kernel,
    mesh=_mesh,
    out_type=jax.ShapeDtypeStruct((TOT, EMBED_DIM), jnp.float32),
    scratch_types=_scratch,
)
def _embedding_gather(idx_hbm, table_hbm, out_hbm, idx_v, *bufs):
    rows = bufs[:NBUF]
    gsem = bufs[NBUF : 2 * NBUF]
    osem = bufs[2 * NBUF : 3 * NBUF]
    wid = lax.axis_index("s") * NUM_CORES + lax.axis_index("c")
    base = wid * B_PER_W

    pltpu.sync_copy(idx_hbm.at[pl.ds(base, B_PER_W)], idx_v)

    def gather_start(c):
        b = c % NBUF
        return pltpu.async_copy(
            table_hbm.at[idx_v.at[pl.ds(c * CHUNK, CHUNK)]], rows[b], gsem[b]
        )

    def writeback_start(c):
        b = c % NBUF
        return pltpu.async_copy(
            rows[b], out_hbm.at[pl.ds(base + c * CHUNK, CHUNK)], osem[b]
        )

    g = [None] * N_CHUNKS
    wb = [None] * NBUF
    for c in range(min(NBUF - 1, N_CHUNKS)):
        g[c] = gather_start(c)
    for c in range(N_CHUNKS):
        nxt = c + NBUF - 1
        if nxt < N_CHUNKS:
            b = nxt % NBUF
            g[nxt] = gather_start(nxt)
        g[c].wait()
    for h in wb:
        if h is not None:
            h.wait()


def kernel(input, weight):
    idx = input.T.reshape(-1).astype(jnp.int32)
    out = _embedding_gather(idx, weight)
    return out.reshape(FIELDS, BATCH, EMBED_DIM).transpose(1, 0, 2)

# --- scband reference (transcript-rebuilt; emitter-appended) ---
"""Pipeline reference for scband-split-embedding-62010737819825 (READ-ONLY COPY).

The authoritative reference and input builder live on the scoring server;
editing this copy changes nothing except your own understanding.
"""

import jax, jax.numpy as jnp
import numpy as np

VOCAB = 100000
EMBED_DIM = 128
BATCH = 4096
FIELDS = 26
WORLD_SIZE = 1


def setup_inputs(seed: int = 0) -> dict:
    key = jax.random.key(seed)
    k1, k2 = jax.random.split(key)
    weight = jax.random.normal(k1, (VOCAB, EMBED_DIM), dtype=jnp.float32)
    inp = jax.random.randint(k2, (BATCH, FIELDS), 0, VOCAB, dtype=jnp.int64)
    return {"input": inp, "weight": weight}


def _join(partial, world_size):
    # Simulates torch.distributed.all_gather + cat(dim=-1) on a single host:
    # with world_size replicas each holding the same partial (world_size=1 here),
    # the result is the concatenation of world_size copies along the last dim.
    return jnp.concatenate([partial for _ in range(world_size)], axis=-1)


def reference(input, weight):
    # torch.nn.functional.embedding(input, weight) == row gather
    result = jnp.take(weight, input, axis=0)
    return _join(result, WORLD_SIZE)

if __name__ == "__main__":
    import jax
    _d = setup_inputs()
    print(jax.jit(kernel)(*tuple(_d.values())))

</pallas_src>

<mosaic_0001>
#map = affine_map<(d0, d1) -> (0)>
#map1 = affine_map<(d0, d1) -> (0, 0)>
module attributes {stable_mosaic.version = 14 : i64} {
  func.func @_embedding_gather(%arg0: i32, %arg1: i32, %arg2: memref<106496xi32, #tpu.memory_space<hbm>>, %arg3: memref<100000x128xf32, #tpu.memory_space<hbm>>, %arg4: memref<106496x128xf32, #tpu.memory_space<hbm>>, %arg5: memref<3328xi32, #tpu.memory_space<vmem>>, %arg6: memref<208x128xf32, #tpu.memory_space<vmem>>, %arg7: memref<208x128xf32, #tpu.memory_space<vmem>>, %arg8: memref<208x128xf32, #tpu.memory_space<vmem>>, %arg9: memref<!tpu.dma_semaphore, #tpu.memory_space<semaphore_mem>>, %arg10: memref<!tpu.dma_semaphore, #tpu.memory_space<semaphore_mem>>, %arg11: memref<!tpu.dma_semaphore, #tpu.memory_space<semaphore_mem>>, %arg12: memref<!tpu.dma_semaphore, #tpu.memory_space<semaphore_mem>>, %arg13: memref<!tpu.dma_semaphore, #tpu.memory_space<semaphore_mem>>, %arg14: memref<!tpu.dma_semaphore, #tpu.memory_space<semaphore_mem>>) attributes {dimension_semantics = [#tpu.dimension_semantics<core_parallel>, #tpu.dimension_semantics<subcore_parallel>], iteration_bounds = array<i64: 2, 16>, scalar_prefetch = 0 : i64, scratch_operands = 10 : i64, tpu.core_type = #tpu.core_type<sc_vector_subcore>, window_params = [{transform_indices = #map}, {transform_indices = #map1}, {transform_indices = #map1}]} {
    %mul3A = arith.constant 2 : i32
    %mul3A_0 = arith.muli %arg1, %mul3A : i32
    %add3A = arith.addi %mul3A_0, %arg0 : i32
    %mul3A_1 = arith.constant 3328 : i32
    %mul3A_2 = arith.muli %add3A, %mul3A_1 : i32
    "tpu.region"() ({
      %run_scoped3A = tpu.sem_alloc : memref<!tpu.dma_semaphore, #tpu.memory_space<semaphore_mem>>
      %dma_start3A_161 = tpu.memref_slice %arg2[%mul3A_2] : memref<106496xi32, #tpu.memory_space<hbm>> -> memref<3328xi32, #tpu.memory_space<hbm>>
      %dma_start3A_162 = tpu.memref_slice %arg2[%mul3A_2] : memref<106496xi32, #tpu.memory_space<hbm>> -> memref<3328xi32, #tpu.memory_space<hbm>>
      tpu.enqueue_dma source(%dma_start3A_162 : memref<3328xi32, #tpu.memory_space<hbm>>) target(%arg5 : memref<3328xi32, #tpu.memory_space<vmem>>) target_semaphore(%run_scoped3A : memref<!tpu.dma_semaphore, #tpu.memory_space<semaphore_mem>>)
      %dma_wait3A_163 = tpu.memref_slice %arg2[%mul3A_2] : memref<106496xi32, #tpu.memory_space<hbm>> -> memref<3328xi32, #tpu.memory_space<hbm>>
      %dma_wait3A_164 = tpu.memref_slice %arg2[%mul3A_2] : memref<106496xi32, #tpu.memory_space<hbm>> -> memref<3328xi32, #tpu.memory_space<hbm>>
      tpu.wait_dma2 semaphore(%run_scoped3A : memref<!tpu.dma_semaphore, #tpu.memory_space<semaphore_mem>>) src(%dma_wait3A_164 : memref<3328xi32, #tpu.memory_space<hbm>>) dst(%arg5 : memref<3328xi32, #tpu.memory_space<vmem>>)
      tpu.yield
    }) : () -> ()
    %dma_start3A = arith.constant 0 : i32
    %dma_start3A_3 = tpu.memref_slice %arg5[%dma_start3A] : memref<3328xi32, #tpu.memory_space<vmem>> -> memref<208xi32, #tpu.memory_space<vmem>>
    %dma_start3A_4 = arith.constant 0 : i32
    %dma_start3A_5 = arith.constant 0 : i32
    %dma_start3A_6 = tpu.memref_slice %arg3[%dma_start3A_4, %dma_start3A_5] : memref<100000x128xf32, #tpu.memory_space<hbm>> -> memref<100000x128xf32, #tpu.memory_space<hbm>>
    tpu.enqueue_indirect_dma source(%dma_start3A_6 : memref<100000x128xf32, #tpu.memory_space<hbm>>) target(%arg6 : memref<208x128xf32, #tpu.memory_space<vmem>>) offsets(%dma_start3A_3 : memref<208xi32, #tpu.memory_space<vmem>>) semaphore(%arg9 : memref<!tpu.dma_semaphore, #tpu.memory_space<semaphore_mem>>)
    %dma_start3A_7 = arith.constant 208 : i32
    %dma_start3A_8 = tpu.memref_slice %arg5[%dma_start3A_7] : memref<3328xi32, #tpu.memory_space<vmem>> -> memref<208xi32, #tpu.memory_space<vmem>>
    %dma_start3A_9 = arith.constant 0 : i32
    %dma_start3A_10 = arith.constant 0 : i32
    %dma_start3A_11 = tpu.memref_slice %arg3[%dma_start3A_9, %dma_start3A_10] : memref<100000x128xf32, #tpu.memory_space<hbm>> -> memref<100000x128xf32, #tpu.memory_space<hbm>>
    tpu.enqueue_indirect_dma source(%dma_start3A_11 : memref<100000x128xf32, #tpu.memory_space<hbm>>) target(%arg7 : memref<208x128xf32, #tpu.memory_space<vmem>>) offsets(%dma_start3A_8 : memref<208xi32, #tpu.memory_space<vmem>>) semaphore(%arg10 : memref<!tpu.dma_semaphore, #tpu.memory_space<semaphore_mem>>)
    %dma_start3A_12 = arith.constant 416 : i32
    %dma_start3A_13 = tpu.memref_slice %arg5[%dma_start3A_12] : memref<3328xi32, #tpu.memory_space<vmem>> -> memref<208xi32, #tpu.memory_space<vmem>>
    %dma_start3A_14 = arith.constant 0 : i32
    %dma_start3A_15 = arith.constant 0 : i32
    %dma_start3A_16 = tpu.memref_slice %arg3[%dma_start3A_14, %dma_start3A_15] : memref<100000x128xf32, #tpu.memory_space<hbm>> -> memref<100000x128xf32, #tpu.memory_space<hbm>>
    tpu.enqueue_indirect_dma source(%dma_start3A_16 : memref<100000x128xf32, #tpu.memory_space<hbm>>) target(%arg8 : memref<208x128xf32, #tpu.memory_space<vmem>>) offsets(%dma_start3A_13 : memref<208xi32, #tpu.memory_space<vmem>>) semaphore(%arg11 : memref<!tpu.dma_semaphore, #tpu.memory_space<semaphore_mem>>)
    %dma_wait3A = arith.constant 0 : i32
    %dma_wait3A_17 = tpu.memref_slice %arg5[%dma_wait3A] : memref<3328xi32, #tpu.memory_space<vmem>> -> memref<208xi32, #tpu.memory_space<vmem>>
    %dma_wait3A_18 = arith.constant 0 : i32
    %dma_wait3A_19 = arith.constant 0 : i32
    %dma_wait3A_20 = tpu.memref_slice %arg3[%dma_wait3A_18, %dma_wait3A_19] : memref<100000x128xf32, #tpu.memory_space<hbm>> -> memref<100000x128xf32, #tpu.memory_space<hbm>>
    tpu.wait_indirect_dma semaphore(%arg9 : memref<!tpu.dma_semaphore, #tpu.memory_space<semaphore_mem>>) src(%dma_wait3A_20 : memref<100000x128xf32, #tpu.memory_space<hbm>>) dst(%arg6 : memref<208x128xf32, #tpu.memory_space<vmem>>)
    %dma_start3A_21 = arith.constant 624 : i32
    %dma_start3A_22 = tpu.memref_slice %arg5[%dma_start3A_21] : memref<3328xi32, #tpu.memory_space<vmem>> -> memref<208xi32, #tpu.memory_space<vmem>>
    %dma_start3A_23 = arith.constant 0 : i32
    %dma_start3A_24 = arith.constant 0 : i32
    %dma_start3A_25 = tpu.memref_slice %arg3[%dma_start3A_23, %dma_start3A_24] : memref<100000x128xf32, #tpu.memory_space<hbm>> -> memref<100000x128xf32, #tpu.memory_space<hbm>>
    tpu.enqueue_indirect_dma source(%dma_start3A_25 : memref<100000x128xf32, #tpu.memory_space<hbm>>) target(%arg6 : memref<208x128xf32, #tpu.memory_space<vmem>>) offsets(%dma_start3A_22 : memref<208xi32, #tpu.memory_space<vmem>>) semaphore(%arg9 : memref<!tpu.dma_semaphore, #tpu.memory_space<semaphore_mem>>)
    %dma_wait3A_26 = arith.constant 208 : i32
    %dma_wait3A_27 = tpu.memref_slice %arg5[%dma_wait3A_26] : memref<3328xi32, #tpu.memory_space<vmem>> -> memref<208xi32, #tpu.memory_space<vmem>>
    %dma_wait3A_28 = arith.constant 0 : i32
    %dma_wait3A_29 = arith.constant 0 : i32
    %dma_wait3A_30 = tpu.memref_slice %arg3[%dma_wait3A_28, %dma_wait3A_29] : memref<100000x128xf32, #tpu.memory_space<hbm>> -> memref<100000x128xf32, #tpu.memory_space<hbm>>
    tpu.wait_indirect_dma semaphore(%arg10 : memref<!tpu.dma_semaphore, #tpu.memory_space<semaphore_mem>>) src(%dma_wait3A_30 : memref<100000x128xf32, #tpu.memory_space<hbm>>) dst(%arg7 : memref<208x128xf32, #tpu.memory_space<vmem>>)
    %dma_start3A_31 = arith.constant 832 : i32
    %dma_start3A_32 = tpu.memref_slice %arg5[%dma_start3A_31] : memref<3328xi32, #tpu.memory_space<vmem>> -> memref<208xi32, #tpu.memory_space<vmem>>
    %dma_start3A_33 = arith.constant 0 : i32
    %dma_start3A_34 = arith.constant 0 : i32
    %dma_start3A_35 = tpu.memref_slice %arg3[%dma_start3A_33, %dma_start3A_34] : memref<100000x128xf32, #tpu.memory_space<hbm>> -> memref<100000x128xf32, #tpu.memory_space<hbm>>
    tpu.enqueue_indirect_dma source(%dma_start3A_35 : memref<100000x128xf32, #tpu.memory_space<hbm>>) target(%arg7 : memref<208x128xf32, #tpu.memory_space<vmem>>) offsets(%dma_start3A_32 : memref<208xi32, #tpu.memory_space<vmem>>) semaphore(%arg10 : memref<!tpu.dma_semaphore, #tpu.memory_space<semaphore_mem>>)
    %dma_wait3A_36 = arith.constant 416 : i32
    %dma_wait3A_37 = tpu.memref_slice %arg5[%dma_wait3A_36] : memref<3328xi32, #tpu.memory_space<vmem>> -> memref<208xi32, #tpu.memory_space<vmem>>
    %dma_wait3A_38 = arith.constant 0 : i32
    %dma_wait3A_39 = arith.constant 0 : i32
    %dma_wait3A_40 = tpu.memref_slice %arg3[%dma_wait3A_38, %dma_wait3A_39] : memref<100000x128xf32, #tpu.memory_space<hbm>> -> memref<100000x128xf32, #tpu.memory_space<hbm>>
    tpu.wait_indirect_dma semaphore(%arg11 : memref<!tpu.dma_semaphore, #tpu.memory_space<semaphore_mem>>) src(%dma_wait3A_40 : memref<100000x128xf32, #tpu.memory_space<hbm>>) dst(%arg8 : memref<208x128xf32, #tpu.memory_space<vmem>>)
    %dma_start3A_41 = arith.constant 1040 : i32
    %dma_start3A_42 = tpu.memref_slice %arg5[%dma_start3A_41] : memref<3328xi32, #tpu.memory_space<vmem>> -> memref<208xi32, #tpu.memory_space<vmem>>
    %dma_start3A_43 = arith.constant 0 : i32
    %dma_start3A_44 = arith.constant 0 : i32
    %dma_start3A_45 = tpu.memref_slice %arg3[%dma_start3A_43, %dma_start3A_44] : memref<100000x128xf32, #tpu.memory_space<hbm>> -> memref<100000x128xf32, #tpu.memory_space<hbm>>
    tpu.enqueue_indirect_dma source(%dma_start3A_45 : memref<100000x128xf32, #tpu.memory_space<hbm>>) target(%arg8 : memref<208x128xf32, #tpu.memory_space<vmem>>) offsets(%dma_start3A_42 : memref<208xi32, #tpu.memory_space<vmem>>) semaphore(%arg11 : memref<!tpu.dma_semaphore, #tpu.memory_space<semaphore_mem>>)
    %dma_wait3A_46 = arith.constant 624 : i32
    %dma_wait3A_47 = tpu.memref_slice %arg5[%dma_wait3A_46] : memref<3328xi32, #tpu.memory_space<vmem>> -> memref<208xi32, #tpu.memory_space<vmem>>
    %dma_wait3A_48 = arith.constant 0 : i32
    %dma_wait3A_49 = arith.constant 0 : i32
    %dma_wait3A_50 = tpu.memref_slice %arg3[%dma_wait3A_48, %dma_wait3A_49] : memref<100000x128xf32, #tpu.memory_space<hbm>> -> memref<100000x128xf32, #tpu.memory_space<hbm>>
    tpu.wait_indirect_dma semaphore(%arg9 : memref<!tpu.dma_semaphore, #tpu.memory_space<semaphore_mem>>) src(%dma_wait3A_50 : memref<100000x128xf32, #tpu.memory_space<hbm>>) dst(%arg6 : memref<208x128xf32, #tpu.memory_space<vmem>>)
    %dma_start3A_51 = arith.constant 1248 : i32
    %dma_start3A_52 = tpu.memref_slice %arg5[%dma_start3A_51] : memref<3328xi32, #tpu.memory_space<vmem>> -> memref<208xi32, #tpu.memory_space<vmem>>
    %dma_start3A_53 = arith.constant 0 : i32
    %dma_start3A_54 = arith.constant 0 : i32
    %dma_start3A_55 = tpu.memref_slice %arg3[%dma_start3A_53, %dma_start3A_54] : memref<100000x128xf32, #tpu.memory_space<hbm>> -> memref<100000x128xf32, #tpu.memory_space<hbm>>
    tpu.enqueue_indirect_dma source(%dma_start3A_55 : memref<100000x128xf32, #tpu.memory_space<hbm>>) target(%arg6 : memref<208x128xf32, #tpu.memory_space<vmem>>) offsets(%dma_start3A_52 : memref<208xi32, #tpu.memory_space<vmem>>) semaphore(%arg9 : memref<!tpu.dma_semaphore, #tpu.memory_space<semaphore_mem>>)
    %dma_wait3A_56 = arith.constant 832 : i32
    %dma_wait3A_57 = tpu.memref_slice %arg5[%dma_wait3A_56] : memref<3328xi32, #tpu.memory_space<vmem>> -> memref<208xi32, #tpu.memory_space<vmem>>
    %dma_wait3A_58 = arith.constant 0 : i32
    %dma_wait3A_59 = arith.constant 0 : i32
    %dma_wait3A_60 = tpu.memref_slice %arg3[%dma_wait3A_58, %dma_wait3A_59] : memref<100000x128xf32, #tpu.memory_space<hbm>> -> memref<100000x128xf32, #tpu.memory_space<hbm>>
    tpu.wait_indirect_dma semaphore(%arg10 : memref<!tpu.dma_semaphore, #tpu.memory_space<semaphore_mem>>) src(%dma_wait3A_60 : memref<100000x128xf32, #tpu.memory_space<hbm>>) dst(%arg7 : memref<208x128xf32, #tpu.memory_space<vmem>>)
    %dma_start3A_61 = arith.constant 1456 : i32
    %dma_start3A_62 = tpu.memref_slice %arg5[%dma_start3A_61] : memref<3328xi32, #tpu.memory_space<vmem>> -> memref<208xi32, #tpu.memory_space<vmem>>
    %dma_start3A_63 = arith.constant 0 : i32
    %dma_start3A_64 = arith.constant 0 : i32
    %dma_start3A_65 = tpu.memref_slice %arg3[%dma_start3A_63, %dma_start3A_64] : memref<100000x128xf32, #tpu.memory_space<hbm>> -> memref<100000x128xf32, #tpu.memory_space<hbm>>
    tpu.enqueue_indirect_dma source(%dma_start3A_65 : memref<100000x128xf32, #tpu.memory_space<hbm>>) target(%arg7 : memref<208x128xf32, #tpu.memory_space<vmem>>) offsets(%dma_start3A_62 : memref<208xi32, #tpu.memory_space<vmem>>) semaphore(%arg10 : memref<!tpu.dma_semaphore, #tpu.memory_space<semaphore_mem>>)
    %dma_wait3A_66 = arith.constant 1040 : i32
    %dma_wait3A_67 = tpu.memref_slice %arg5[%dma_wait3A_66] : memref<3328xi32, #tpu.memory_space<vmem>> -> memref<208xi32, #tpu.memory_space<vmem>>
    %dma_wait3A_68 = arith.constant 0 : i32
    %dma_wait3A_69 = arith.constant 0 : i32
    %dma_wait3A_70 = tpu.memref_slice %arg3[%dma_wait3A_68, %dma_wait3A_69] : memref<100000x128xf32, #tpu.memory_space<hbm>> -> memref<100000x128xf32, #tpu.memory_space<hbm>>
    tpu.wait_indirect_dma semaphore(%arg11 : memref<!tpu.dma_semaphore, #tpu.memory_space<semaphore_mem>>) src(%dma_wait3A_70 : memref<100000x128xf32, #tpu.memory_space<hbm>>) dst(%arg8 : memref<208x128xf32, #tpu.memory_space<vmem>>)
    %dma_start3A_71 = arith.constant 1664 : i32
    %dma_start3A_72 = tpu.memref_slice %arg5[%dma_start3A_71] : memref<3328xi32, #tpu.memory_space<vmem>> -> memref<208xi32, #tpu.memory_space<vmem>>
    %dma_start3A_73 = arith.constant 0 : i32
    %dma_start3A_74 = arith.constant 0 : i32
    %dma_start3A_75 = tpu.memref_slice %arg3[%dma_start3A_73, %dma_start3A_74] : memref<100000x128xf32, #tpu.memory_space<hbm>> -> memref<100000x128xf32, #tpu.memory_space<hbm>>
    tpu.enqueue_indirect_dma source(%dma_start3A_75 : memref<100000x128xf32, #tpu.memory_space<hbm>>) target(%arg8 : memref<208x128xf32, #tpu.memory_space<vmem>>) offsets(%dma_start3A_72 : memref<208xi32, #tpu.memory_space<vmem>>) semaphore(%arg11 : memref<!tpu.dma_semaphore, #tpu.memory_space<semaphore_mem>>)
    %dma_wait3A_76 = arith.constant 1248 : i32
    %dma_wait3A_77 = tpu.memref_slice %arg5[%dma_wait3A_76] : memref<3328xi32, #tpu.memory_space<vmem>> -> memref<208xi32, #tpu.memory_space<vmem>>
    %dma_wait3A_78 = arith.constant 0 : i32
    %dma_wait3A_79 = arith.constant 0 : i32
    %dma_wait3A_80 = tpu.memref_slice %arg3[%dma_wait3A_78, %dma_wait3A_79] : memref<100000x128xf32, #tpu.memory_space<hbm>> -> memref<100000x128xf32, #tpu.memory_space<hbm>>
    tpu.wait_indirect_dma semaphore(%arg9 : memref<!tpu.dma_semaphore, #tpu.memory_space<semaphore_mem>>) src(%dma_wait3A_80 : memref<100000x128xf32, #tpu.memory_space<hbm>>) dst(%arg6 : memref<208x128xf32, #tpu.memory_space<vmem>>)
    %dma_start3A_81 = arith.constant 1872 : i32
    %dma_start3A_82 = tpu.memref_slice %arg5[%dma_start3A_81] : memref<3328xi32, #tpu.memory_space<vmem>> -> memref<208xi32, #tpu.memory_space<vmem>>
    %dma_start3A_83 = arith.constant 0 : i32
    %dma_start3A_84 = arith.constant 0 : i32
    %dma_start3A_85 = tpu.memref_slice %arg3[%dma_start3A_83, %dma_start3A_84] : memref<100000x128xf32, #tpu.memory_space<hbm>> -> memref<100000x128xf32, #tpu.memory_space<hbm>>
    tpu.enqueue_indirect_dma source(%dma_start3A_85 : memref<100000x128xf32, #tpu.memory_space<hbm>>) target(%arg6 : memref<208x128xf32, #tpu.memory_space<vmem>>) offsets(%dma_start3A_82 : memref<208xi32, #tpu.memory_space<vmem>>) semaphore(%arg9 : memref<!tpu.dma_semaphore, #tpu.memory_space<semaphore_mem>>)
    %dma_wait3A_86 = arith.constant 1456 : i32
    %dma_wait3A_87 = tpu.memref_slice %arg5[%dma_wait3A_86] : memref<3328xi32, #tpu.memory_space<vmem>> -> memref<208xi32, #tpu.memory_space<vmem>>
    %dma_wait3A_88 = arith.constant 0 : i32
    %dma_wait3A_89 = arith.constant 0 : i32
    %dma_wait3A_90 = tpu.memref_slice %arg3[%dma_wait3A_88, %dma_wait3A_89] : memref<100000x128xf32, #tpu.memory_space<hbm>> -> memref<100000x128xf32, #tpu.memory_space<hbm>>
    tpu.wait_indirect_dma semaphore(%arg10 : memref<!tpu.dma_semaphore, #tpu.memory_space<semaphore_mem>>) src(%dma_wait3A_90 : memref<100000x128xf32, #tpu.memory_space<hbm>>) dst(%arg7 : memref<208x128xf32, #tpu.memory_space<vmem>>)
    %dma_start3A_91 = arith.constant 2080 : i32
    %dma_start3A_92 = tpu.memref_slice %arg5[%dma_start3A_91] : memref<3328xi32, #tpu.memory_space<vmem>> -> memref<208xi32, #tpu.memory_space<vmem>>
    %dma_start3A_93 = arith.constant 0 : i32
    %dma_start3A_94 = arith.constant 0 : i32
    %dma_start3A_95 = tpu.memref_slice %arg3[%dma_start3A_93, %dma_start3A_94] : memref<100000x128xf32, #tpu.memory_space<hbm>> -> memref<100000x128xf32, #tpu.memory_space<hbm>>
    tpu.enqueue_indirect_dma source(%dma_start3A_95 : memref<100000x128xf32, #tpu.memory_space<hbm>>) target(%arg7 : memref<208x128xf32, #tpu.memory_space<vmem>>) offsets(%dma_start3A_92 : memref<208xi32, #tpu.memory_space<vmem>>) semaphore(%arg10 : memref<!tpu.dma_semaphore, #tpu.memory_space<semaphore_mem>>)
    %dma_wait3A_96 = arith.constant 1664 : i32
    %dma_wait3A_97 = tpu.memref_slice %arg5[%dma_wait3A_96] : memref<3328xi32, #tpu.memory_space<vmem>> -> memref<208xi32, #tpu.memory_space<vmem>>
    %dma_wait3A_98 = arith.constant 0 : i32
    %dma_wait3A_99 = arith.constant 0 : i32
    %dma_wait3A_100 = tpu.memref_slice %arg3[%dma_wait3A_98, %dma_wait3A_99] : memref<100000x128xf32, #tpu.memory_space<hbm>> -> memref<100000x128xf32, #tpu.memory_space<hbm>>
    tpu.wait_indirect_dma semaphore(%arg11 : memref<!tpu.dma_semaphore, #tpu.memory_space<semaphore_mem>>) src(%dma_wait3A_100 : memref<100000x128xf32, #tpu.memory_space<hbm>>) dst(%arg8 : memref<208x128xf32, #tpu.memory_space<vmem>>)
    %dma_start3A_101 = arith.constant 2288 : i32
    %dma_start3A_102 = tpu.memref_slice %arg5[%dma_start3A_101] : memref<3328xi32, #tpu.memory_space<vmem>> -> memref<208xi32, #tpu.memory_space<vmem>>
    %dma_start3A_103 = arith.constant 0 : i32
    %dma_start3A_104 = arith.constant 0 : i32
    %dma_start3A_105 = tpu.memref_slice %arg3[%dma_start3A_103, %dma_start3A_104] : memref<100000x128xf32, #tpu.memory_space<hbm>> -> memref<100000x128xf32, #tpu.memory_space<hbm>>
    tpu.enqueue_indirect_dma source(%dma_start3A_105 : memref<100000x128xf32, #tpu.memory_space<hbm>>) target(%arg8 : memref<208x128xf32, #tpu.memory_space<vmem>>) offsets(%dma_start3A_102 : memref<208xi32, #tpu.memory_space<vmem>>) semaphore(%arg11 : memref<!tpu.dma_semaphore, #tpu.memory_space<semaphore_mem>>)
    %dma_wait3A_106 = arith.constant 1872 : i32
    %dma_wait3A_107 = tpu.memref_slice %arg5[%dma_wait3A_106] : memref<3328xi32, #tpu.memory_space<vmem>> -> memref<208xi32, #tpu.memory_space<vmem>>
    %dma_wait3A_108 = arith.constant 0 : i32
    %dma_wait3A_109 = arith.constant 0 : i32
    %dma_wait3A_110 = tpu.memref_slice %arg3[%dma_wait3A_108, %dma_wait3A_109] : memref<100000x128xf32, #tpu.memory_space<hbm>> -> memref<100000x128xf32, #tpu.memory_space<hbm>>
    tpu.wait_indirect_dma semaphore(%arg9 : memref<!tpu.dma_semaphore, #tpu.memory_space<semaphore_mem>>) src(%dma_wait3A_110 : memref<100000x128xf32, #tpu.memory_space<hbm>>) dst(%arg6 : memref<208x128xf32, #tpu.memory_space<vmem>>)
    %dma_start3A_111 = arith.constant 2496 : i32
    %dma_start3A_112 = tpu.memref_slice %arg5[%dma_start3A_111] : memref<3328xi32, #tpu.memory_space<vmem>> -> memref<208xi32, #tpu.memory_space<vmem>>
    %dma_start3A_113 = arith.constant 0 : i32
    %dma_start3A_114 = arith.constant 0 : i32
    %dma_start3A_115 = tpu.memref_slice %arg3[%dma_start3A_113, %dma_start3A_114] : memref<100000x128xf32, #tpu.memory_space<hbm>> -> memref<100000x128xf32, #tpu.memory_space<hbm>>
    tpu.enqueue_indirect_dma source(%dma_start3A_115 : memref<100000x128xf32, #tpu.memory_space<hbm>>) target(%arg6 : memref<208x128xf32, #tpu.memory_space<vmem>>) offsets(%dma_start3A_112 : memref<208xi32, #tpu.memory_space<vmem>>) semaphore(%arg9 : memref<!tpu.dma_semaphore, #tpu.memory_space<semaphore_mem>>)
    %dma_wait3A_116 = arith.constant 2080 : i32
    %dma_wait3A_117 = tpu.memref_slice %arg5[%dma_wait3A_116] : memref<3328xi32, #tpu.memory_space<vmem>> -> memref<208xi32, #tpu.memory_space<vmem>>
    %dma_wait3A_118 = arith.constant 0 : i32
    %dma_wait3A_119 = arith.constant 0 : i32
    %dma_wait3A_120 = tpu.memref_slice %arg3[%dma_wait3A_118, %dma_wait3A_119] : memref<100000x128xf32, #tpu.memory_space<hbm>> -> memref<100000x128xf32, #tpu.memory_space<hbm>>
    tpu.wait_indirect_dma semaphore(%arg10 : memref<!tpu.dma_semaphore, #tpu.memory_space<semaphore_mem>>) src(%dma_wait3A_120 : memref<100000x128xf32, #tpu.memory_space<hbm>>) dst(%arg7 : memref<208x128xf32, #tpu.memory_space<vmem>>)
    %dma_start3A_121 = arith.constant 2704 : i32
    %dma_start3A_122 = tpu.memref_slice %arg5[%dma_start3A_121] : memref<3328xi32, #tpu.memory_space<vmem>> -> memref<208xi32, #tpu.memory_space<vmem>>
    %dma_start3A_123 = arith.constant 0 : i32
    %dma_start3A_124 = arith.constant 0 : i32
    %dma_start3A_125 = tpu.memref_slice %arg3[%dma_start3A_123, %dma_start3A_124] : memref<100000x128xf32, #tpu.memory_space<hbm>> -> memref<100000x128xf32, #tpu.memory_space<hbm>>
    tpu.enqueue_indirect_dma source(%dma_start3A_125 : memref<100000x128xf32, #tpu.memory_space<hbm>>) target(%arg7 : memref<208x128xf32, #tpu.memory_space<vmem>>) offsets(%dma_start3A_122 : memref<208xi32, #tpu.memory_space<vmem>>) semaphore(%arg10 : memref<!tpu.dma_semaphore, #tpu.memory_space<semaphore_mem>>)
    %dma_wait3A_126 = arith.constant 2288 : i32
    %dma_wait3A_127 = tpu.memref_slice %arg5[%dma_wait3A_126] : memref<3328xi32, #tpu.memory_space<vmem>> -> memref<208xi32, #tpu.memory_space<vmem>>
    %dma_wait3A_128 = arith.constant 0 : i32
    %dma_wait3A_129 = arith.constant 0 : i32
    %dma_wait3A_130 = tpu.memref_slice %arg3[%dma_wait3A_128, %dma_wait3A_129] : memref<100000x128xf32, #tpu.memory_space<hbm>> -> memref<100000x128xf32, #tpu.memory_space<hbm>>
    tpu.wait_indirect_dma semaphore(%arg11 : memref<!tpu.dma_semaphore, #tpu.memory_space<semaphore_mem>>) src(%dma_wait3A_130 : memref<100000x128xf32, #tpu.memory_space<hbm>>) dst(%arg8 : memref<208x128xf32, #tpu.memory_space<vmem>>)
    %dma_start3A_131 = arith.constant 2912 : i32
    %dma_start3A_132 = tpu.memref_slice %arg5[%dma_start3A_131] : memref<3328xi32, #tpu.memory_space<vmem>> -> memref<208xi32, #tpu.memory_space<vmem>>
    %dma_start3A_133 = arith.constant 0 : i32
    %dma_start3A_134 = arith.constant 0 : i32
    %dma_start3A_135 = tpu.memref_slice %arg3[%dma_start3A_133, %dma_start3A_134] : memref<100000x128xf32, #tpu.memory_space<hbm>> -> memref<100000x128xf32, #tpu.memory_space<hbm>>
    tpu.enqueue_indirect_dma source(%dma_start3A_135 : memref<100000x128xf32, #tpu.memory_space<hbm>>) target(%arg8 : memref<208x128xf32, #tpu.memory_space<vmem>>) offsets(%dma_start3A_132 : memref<208xi32, #tpu.memory_space<vmem>>) semaphore(%arg11 : memref<!tpu.dma_semaphore, #tpu.memory_space<semaphore_mem>>)
    %dma_wait3A_136 = arith.constant 2496 : i32
    %dma_wait3A_137 = tpu.memref_slice %arg5[%dma_wait3A_136] : memref<3328xi32, #tpu.memory_space<vmem>> -> memref<208xi32, #tpu.memory_space<vmem>>
    %dma_wait3A_138 = arith.constant 0 : i32
    %dma_wait3A_139 = arith.constant 0 : i32
    %dma_wait3A_140 = tpu.memref_slice %arg3[%dma_wait3A_138, %dma_wait3A_139] : memref<100000x128xf32, #tpu.memory_space<hbm>> -> memref<100000x128xf32, #tpu.memory_space<hbm>>
    tpu.wait_indirect_dma semaphore(%arg9 : memref<!tpu.dma_semaphore, #tpu.memory_space<semaphore_mem>>) src(%dma_wait3A_140 : memref<100000x128xf32, #tpu.memory_space<hbm>>) dst(%arg6 : memref<208x128xf32, #tpu.memory_space<vmem>>)
    %dma_start3A_141 = arith.constant 3120 : i32
    %dma_start3A_142 = tpu.memref_slice %arg5[%dma_start3A_141] : memref<3328xi32, #tpu.memory_space<vmem>> -> memref<208xi32, #tpu.memory_space<vmem>>
    %dma_start3A_143 = arith.constant 0 : i32
    %dma_start3A_144 = arith.constant 0 : i32
    %dma_start3A_145 = tpu.memref_slice %arg3[%dma_start3A_143, %dma_start3A_144] : memref<100000x128xf32, #tpu.memory_space<hbm>> -> memref<100000x128xf32, #tpu.memory_space<hbm>>
    tpu.enqueue_indirect_dma source(%dma_start3A_145 : memref<100000x128xf32, #tpu.memory_space<hbm>>) target(%arg6 : memref<208x128xf32, #tpu.memory_space<vmem>>) offsets(%dma_start3A_142 : memref<208xi32, #tpu.memory_space<vmem>>) semaphore(%arg9 : memref<!tpu.dma_semaphore, #tpu.memory_space<semaphore_mem>>)
    %dma_wait3A_146 = arith.constant 2704 : i32
    %dma_wait3A_147 = tpu.memref_slice %arg5[%dma_wait3A_146] : memref<3328xi32, #tpu.memory_space<vmem>> -> memref<208xi32, #tpu.memory_space<vmem>>
    %dma_wait3A_148 = arith.constant 0 : i32
    %dma_wait3A_149 = arith.constant 0 : i32
    %dma_wait3A_150 = tpu.memref_slice %arg3[%dma_wait3A_148, %dma_wait3A_149] : memref<100000x128xf32, #tpu.memory_space<hbm>> -> memref<100000x128xf32, #tpu.memory_space<hbm>>
    tpu.wait_indirect_dma semaphore(%arg10 : memref<!tpu.dma_semaphore, #tpu.memory_space<semaphore_mem>>) src(%dma_wait3A_150 : memref<100000x128xf32, #tpu.memory_space<hbm>>) dst(%arg7 : memref<208x128xf32, #tpu.memory_space<vmem>>)
    %dma_wait3A_151 = arith.constant 2912 : i32
    %dma_wait3A_152 = tpu.memref_slice %arg5[%dma_wait3A_151] : memref<3328xi32, #tpu.memory_space<vmem>> -> memref<208xi32, #tpu.memory_space<vmem>>
    %dma_wait3A_153 = arith.constant 0 : i32
    %dma_wait3A_154 = arith.constant 0 : i32
    %dma_wait3A_155 = tpu.memref_slice %arg3[%dma_wait3A_153, %dma_wait3A_154] : memref<100000x128xf32, #tpu.memory_space<hbm>> -> memref<100000x128xf32, #tpu.memory_space<hbm>>
    tpu.wait_indirect_dma semaphore(%arg11 : memref<!tpu.dma_semaphore, #tpu.memory_space<semaphore_mem>>) src(%dma_wait3A_155 : memref<100000x128xf32, #tpu.memory_space<hbm>>) dst(%arg8 : memref<208x128xf32, #tpu.memory_space<vmem>>)
    %dma_wait3A_156 = arith.constant 3120 : i32
    %dma_wait3A_157 = tpu.memref_slice %arg5[%dma_wait3A_156] : memref<3328xi32, #tpu.memory_space<vmem>> -> memref<208xi32, #tpu.memory_space<vmem>>
    %dma_wait3A_158 = arith.constant 0 : i32
    %dma_wait3A_159 = arith.constant 0 : i32
    %dma_wait3A_160 = tpu.memref_slice %arg3[%dma_wait3A_158, %dma_wait3A_159] : memref<100000x128xf32, #tpu.memory_space<hbm>> -> memref<100000x128xf32, #tpu.memory_space<hbm>>
    tpu.wait_indirect_dma semaphore(%arg9 : memref<!tpu.dma_semaphore, #tpu.memory_space<semaphore_mem>>) src(%dma_wait3A_160 : memref<100000x128xf32, #tpu.memory_space<hbm>>) dst(%arg6 : memref<208x128xf32, #tpu.memory_space<vmem>>)
    return
  }
}

</mosaic_0001>

<sc_bundles>
// kernel: kernel.3.cloned.1.call-start
scs
__scs_entry_jumppad:
0x0: {  	(pc) =	sbr.rel $0x88, $3  }
0x1: {  	(tag) =	ssettag $0x0;
	lr =	simm.s32 $0x1  }
0x2: {  	[smem:$0x3F9F] =	sst lr;
	_ =	strace $0xD0000000  }
0x3: {  	_ = 	snop  }
0x4: {  	_ = 	snop  }
0x5: {  	_ = 	snop  }
0x6: {  	_ = 	snop  }
0x7: {  	_ = 	snop  }
__scs_overlays_trampoline_lowered:
0x8: {  	[smem:$0x3FAE] =	sst s0  }
0x9: {  	[smem:$0x3FAF] =	sst s1  }
0xa: {  	[smem:$0x3FB0] =	sst s2  }
0xb: {  	[smem:$0x3FB1] =	sst s3  }
0xc: {  	[smem:$0x3FB2] =	sst s4  }
0xd: {  	[smem:$0x3FB3] =	sst s5  }
0xe: {  	[smem:$0x3FB4] =	sst s6  }
0xf: {  	[smem:$0x3FB5] =	sst s7  }
0x10: {  	[smem:$0x3FB6] =	sst s8  }
0x11: {  	[smem:$0x3FB7] =	sst s9;
	s0 =	simm.s32 @!p0 $0x0  }
0x12: {  	s1 =	sld [smem:$0x3F9D];
	s0 =	simm.s32 @p0 $0x1  }
0x13: {  	[smem:$0x3FB8] =	sst s0;
	s0 =	simm.s32 @!p1 $0x0  }
0x14: {  	s2 =	sld [smem:$0x3F9C];
	s0 =	simm.s32 @p1 $0x1  }
0x15: {  	[smem:$0x3FB9] =	sst s0;
	s0 =	simm.s32 @!p2 $0x0  }
0x16: {  	s3 =	sld [smem:$0x3FDB];
	s0 =	simm.s32 @p2 $0x1  }
0x17: {  	s4 =	simm.s32 $0x1BF5;
	[smem:$0x3FBB] =	sst s0  }
0x18: {  	s0 =	sld [smem:$0x3F9E];
	_ =	swait.ge [sflag:s4], $0x0  }
0x19: {  	s7 =	sld [smem:$0x3F9F]  }
0x1a: {  	s8 =	sadd.s32 $0xFFFFE003, lr  }
0x1b: {  	s9 =	sadd.s32 $0xFFFFFEF7, lr;
	s5 =	simm.s32 $0xFFFFFFFF;
	p2 =	slt.u32 s8, $0xFFFFF086  }
0x1c: {  	p1 =	slt.u32 s9, $0xF7A;
	s5 =	simm.s32 @!p2 $0x0  }
0x1d: {  	s5 =	simm.s32 @p1 $0x1;
	p0 =	seq.s32 s7, s2  }
0x1e: {  	s7 =	smul.u32 @!p0 $0xF7A, s2;
	p2 =	seq.s32 @!p0 s5, $0x0  }
0x1f: {  	s9 =	smul.u32 $0xF7A, s1;
	s8 =	simm.s32 @!p0 $0x1BF5;
	p2 =	por !p2, p0  }
0x20: {  	[sflag:s8] =	ssyncset.s32 @!p0 $0xFFFFF086;
	s6 =	sadd.s32 @!p0 s3, s7;
	s7 =	simm.s32 @!p0 $0x108  }
0x21: {  	s3 =	sadd.s32 s3, s9;
	s6 =	sadd.s32 @!p0 $0x88, s6;
	s7 =	simm.s32 @p2 $0x1082  }
0x22: {  	[simem:s7], [sflag:s8] =	dma.local @!p0 [hbm:s6], $0xF7A  }
0x23: {  	s9 =	sor.u32 $0xD0000000, s2;
	s6 =	simm.s32 $0x108;
	_ =	swait.ge @!p0 [sflag:s8], $0x0  }
0x24: {  	s3 =	sadd.s32 $0x88, s3;
	s6 =	simm.s32 @!p1 $0x1082;
	[sflag:s4] =	ssyncset.s32 $0xFFFFF086  }
0x25: {  	[simem:s6], [sflag:s4] =	dma.local [hbm:s3], $0xF7A  }
0x26: {  	[smem:$0x3F9F] =	sst s1;
	(tag) =	ssettag s2;
	_ =	strace s9  }
0x27: {  	s1 =	sld [smem:$0x3FAF]  }
0x28: {  	s2 =	sld [smem:$0x3FB0]  }
0x29: {  	s4 =	sld [smem:$0x3FB2]  }
0x2a: {  	p0 =	seq.s32 s5, $0x0;
	s5 =	sld [smem:$0x3FB3]  }
0x2b: {  	s6 =	sld [smem:$0x3FB4]  }
0x2c: {  	s7 =	sld [smem:$0x3FB5]  }
0x2d: {  	s3 =	simm.s32 $0x108;
	s8 =	sld [smem:$0x3FB6]  }
0x2e: {  	s3 =	simm.s32 @!p0 $0x1082;
	s9 =	sld [smem:$0x3FB7]  }
0x2f: {  	lr =	sadd.s32 s0, s3;
	s0 =	sld [smem:$0x3FAE]  }
0x30: {  	s3 =	sld [smem:$0x3FB1]  }
0x31: {  	[smem:$0x3FBA] =	sst s10  }
0x32: {  	s10 =	sld [smem:$0x3FB8];
	_ =	sdelay $0x3  }
0x33: {  	p0 =	seq.s32 s10, $0x1;
	s10 =	sld [smem:$0x3FBA];
	_ =	sdelay $0x3  }
0x34: {  	[smem:$0x3FBA] =	sst s10  }
0x35: {  	s10 =	sld [smem:$0x3FB9];
	_ =	sdelay $0x3  }
0x36: {  	p1 =	seq.s32 s10, $0x1;
	s10 =	sld [smem:$0x3FBA];
	_ =	sdelay $0x3  }
0x37: {  	[smem:$0x3FBA] =	sst s10  }
0x38: {  	s10 =	sld [smem:$0x3FBB]  }
0x39: {  	_ = 	snop;
	(pc) =	sbr.ind lr, $3  }
0x3a: {  	_ = 	snop  }
0x3b: {  	_ = 	snop  }
0x3c: {  	p2 =	seq.s32 s10, $0x1;
	s10 =	sld [smem:$0x3FBA]  }
0x3d: {  	_ =	shalt  }
0x3e: {  	_ =	shalt  }
0x3f: {  	_ =	shalt  }
0x40: {  	_ =	shalt  }
0x41: {  	_ =	shalt  }
0x42: {  	_ =	shalt  }
0x43: {  	_ =	shalt  }
0x44: {  	_ =	shalt  }
0x45: {  	_ =	shalt  }
0x46: {  	_ =	shalt  }
0x47: {  	_ =	shalt  }
0x48: {  	_ =	shalt  }
0x49: {  	_ =	shalt  }
0x4a: {  	_ =	shalt  }
0x4b: {  	_ =	shalt  }
0x4c: {  	_ =	shalt  }
0x4d: {  	_ =	shalt  }
0x4e: {  	_ =	shalt  }
0x4f: {  	_ =	shalt  }
0x50: {  	_ =	shalt  }
0x51: {  	_ =	shalt  }
0x52: {  	_ =	shalt  }
0x53: {  	_ =	shalt  }
0x54: {  	_ =	shalt  }
0x55: {  	_ =	shalt  }
0x56: {  	_ =	shalt  }
0x57: {  	_ =	shalt  }
0x58: {  	_ =	shalt  }
0x59: {  	_ =	shalt  }
0x5a: {  	_ =	shalt  }
0x5b: {  	_ =	shalt  }
0x5c: {  	_ =	shalt  }
0x5d: {  	_ =	shalt  }
0x5e: {  	_ =	shalt  }
0x5f: {  	_ =	shalt  }
0x60: {  	_ =	shalt  }
0x61: {  	_ =	shalt  }
0x62: {  	_ =	shalt  }
0x63: {  	_ =	shalt  }
0x64: {  	_ =	shalt  }
0x65: {  	_ =	shalt  }
0x66: {  	_ =	shalt  }
0x67: {  	_ =	shalt  }
0x68: {  	_ =	shalt  }
0x69: {  	_ =	shalt  }
0x6a: {  	_ =	shalt  }
0x6b: {  	_ =	shalt  }
0x6c: {  	_ =	shalt  }
0x6d: {  	_ =	shalt  }
0x6e: {  	_ =	shalt  }
0x6f: {  	_ =	shalt  }
0x70: {  	_ =	shalt  }
0x71: {  	_ =	shalt  }
0x72: {  	_ =	shalt  }
0x73: {  	_ =	shalt  }
0x74: {  	_ =	shalt  }
0x75: {  	_ =	shalt  }
0x76: {  	_ =	shalt  }
0x77: {  	_ =	shalt  }
0x78: {  	_ =	shalt  }
0x79: {  	_ =	shalt  }
0x7a: {  	_ =	shalt  }
0x7b: {  	_ =	shalt  }
0x7c: {  	_ =	shalt  }
0x7d: {  	_ =	shalt  }
0x7e: {  	_ =	shalt  }
0x7f: {  	_ =	shalt  }
0x80: {  	_ =	shalt  }
0x81: {  	_ =	shalt  }
0x82: {  	_ =	shalt  }
0x83: {  	_ =	shalt  }
0x84: {  	_ =	shalt  }
0x85: {  	_ =	shalt  }
0x86: {  	_ =	shalt  }
0x87: {  	_ =	shalt  }
.Lfunc_end0:
.L_simem_size_0:
called_computation_lowered:
.L_overlay_start_0:
0x88: {  	s2 =	sld [smem:$0x3FD9]  }
0x89: {  	s3 =	sld [smem:$0x3FFE];
	_ =	sdelay $0x1  }
0x8a: {  	s1 =	srdreg.scid  }
0x8b: {  	s0 =	sand.u32 $0x1, s1  }
0x8c: {  	s17 =	sshll.u32 s0, $0xA;
	s2 =	sadd.s32 s3, s2  }
0x8d: {  	s2 =	sadd.s32 s2, s17  }
0x8e: {  	[smem:$0x3FC6] =	sst s2  }
0x8f: {  	_ = 	snop  }
0x90: {  	s2 =	sld [smem:$0x3FC8];
	(tm) =	ssettm $0x1  }
0x91: {  	s18 =	sld [smem:$0x3FFB];
	_ =	sdelay $0x3  }
0x92: {  	_ =	strace s18  }
0x93: {  	s3 =	sld [smem:$0x3FFC];
	_ =	sdelay $0x3  }
0x94: {  	_ =	strace s3  }
0x95: {  	s3 =	sld [smem:$0x3FFD];
	_ =	sdelay $0x3  }
0x96: {  	_ =	strace s3  }
0x97: {  	_ =	strace $0x8FFFFFFF  }
0x98: {  	s19 =	sld [smem:$0x3FDB];
	_ =	sdelay $0x1  }
0x99: {  	s4 =	simm.s32 $_scs_section_size  }
0x9a: {  	s5 =	simm.s32 $_size__tile_overlayer_lowered;
	s6 =	simm.s32 $_tile_overlayer_lowered  }
0x9b: {  	s22 =	simm.s32 $0x1BFF;
	s21 =	sshll.u32 s6, $0x1;
	s3 =	sadd.s32 s4, s19  }
0x9c: {  	s7 =	simm.s32 $0x0;
	s20 =	sshll.u32 s5, $0x1;
	s5 =	sadd.s32 s21, s3  }
0x9d: {  	[timem:s7], [sflag:s22] =	dma.local [hbm:s5], s20  }
0x9e: {  	_ =	swait.ge [sflag:s22], s20  }
0x9f: {  	s4 =	ssub.s32 $0x0, s20;
	[sflag:s22] =	ssyncset.done $0x0  }
0xa0: {  	[sflag:s22] =	ssyncadd.s32 s4;
	_ =	sdelay $0x1  }
0xa1: {  	s23 =	simm.s32 $0x1B8B  }
0xa2: {  	_ =	swait.ge [sflag:s23], $0x1  }
0xa3: {  	[sflag:s23] =	ssyncset.done $0x0  }
0xa4: {  	s25 =	simm.s32 $0x1B8E;
	s24 =	sld [smem:$0x3FFE];
	[sflag:s23] =	ssyncadd.s32 $0xFFFFFFFF  }
0xa5: {  	s26 =	simm.s32 $execute0_lowered;
	[smem:$0x3FD2] =	sst s25  }
0xa6: {  	s5 =	sshll.u32 s26, $0x1;
	_ =	strace $0x80000046;
	[dreg:$0x1] =	wrdreg $0xFFFFFFFF  }
0xa7: {  	s28 =	simm.s32 $_size_execute0_lowered;
	s3 =	sadd.s32 s3, s5;
	[dreg:$0x0] =	wrdreg $0x0  }
0xa8: {  	s5 =	sshll.u32 s28, $0x1;
	[dreg:$0x2] =	wrdreg s3  }
0xa9: {  	[dreg:$0x3] =	wrdreg s5  }
0xaa: {  	[dreg:$0x4] =	wrdreg $0xC0  }
0xab: {  	_ =	task [dreg:s7], $0x5FFFF  }
0xac: {  	[dreg:$0x1] =	wrdreg $0xFFFFFFFF  }
0xad: {  	[dreg:$0x0] =	wrdreg $0x60  }
0xae: {  	[dreg:$0x2] =	wrdreg s24  }
0xaf: {  	[dreg:$0x3] =	wrdreg s2  }
0xb0: {  	[dreg:$0x4] =	wrdreg $0x9  }
0xb1: {  	_ =	task.clear_ibuf [dreg:s7], $0x5FFFF;
	_ =	strace $0x90000046  }
0xb2: {  	s29 =	simm.s32 $0x9;
	_ =	strace $0x80000048  }
0xb3: {  	_ =	swait.ge [sflag:s29], $0x1  }
0xb4: {  	[sflag:s29] =	ssyncadd.s32 $0xFFFFFFFF  }
0xb5: {  	_ =	strace $0x90000048  }
0xb6: {  	_ =	sfence  }
0xb7: {  	s30 =	sld [smem:$0x0];
	_ =	sdelay $0x2  }
0xb8: {  	s31 =	sshll.u32 s1, $0xD;
	s1 =	sshrl.u32 s1, $0x2  }
0xb9: {  	s3 =	sand.u32 $0x4000, s31;
	s1 =	sadd.s32 s1, s30  }
0xba: {  	s0 =	sor.u32 s3, s0;
	s1 =	sshll.u32 s1, $0x11  }
0xbb: {  	s0 =	sor.u32 s1, s0  }
0xbc: {  	s0 =	sadd.s32 $0x8F2B, s0  }
0xbd: {  	[sflag:s0] =	ssyncadd.remote.s32 $0x1  }
0xbe: {  	_ =	sfence.sel $0xFFFF  }
0xbf: {  	[dreg:$0x0] =	wrdreg $0xFFFFFFFF;
	(pc) =	sbr.abs _section_cstart, $3  }
0xc0: {  	[dreg:$0x1] =	wrdreg $0xFFFFFFFF  }
0xc1: {  	_ =	task.clear_ibuf [dreg:s7], $0x2FFFF;
	_ =	strace $0x9FFFFFFF  }
0xc2: {  	(tm) =	ssettm $0x7FFFFFFF  }
0xc3: {  	_ =	shalt  }
tec
execute0_lowered:
.L_overlay_start_1:
0x0: {  	(tag) =	ssettag $0x1  }
0x1: {  	s1 =	srdreg.scid;
	s0 =	stileid.u32  }
0x2: {  	s28 =	sand.u32 $0x1, s1;
	s31 =	sshll.u32 s0, $0x1  }
0x3: {  	s4 =	rddreg [dreg:$0x0];
	s1 =	sor.u32 s28, s31  }
0x4: {  	s2 =	rddreg [dreg:$0x1];
	s3 =	simm.s32 $0x0;
	s5 =	smul.u32 $0x1A0, s1  }
0x5: {  	[smem:$0x7FF] =	sst s3  }
0x6: {  	s1 =	rddreg [dreg:$0x2];
	s4 =	sadd.s32 s5, s4  }
0x7: {  	_ =	strace $0x80000047;
	s5 =	simm.s32 $0x4;
	s4 =	sadd.s32 $0x400, s4  }
0x8: {  	[tilespmem:s3], [sflag:$0x4] =	stream.linear.gather [hbm4b:s4+s3], $0xD00, $0x38;
	[tilespmem:$0x14500] =	vst v63  }
0x9: {  	_ =	swait.ge [sflag:s5], $0xD00  }
0xa: {  	[sflag:s5] =	ssyncset.done $0x0  }
0xb: {  	s6 =	simm.s32 $0xD0;
	s7 =	simm.s32 $0xD00;
	[sflag:s5] =	ssyncadd.s32 $0xFFFFF300  }
0xc: {  	[tilespmem:s7], [sflag:$0x1] =	stream.indirect.gather [hbm4b:s2+s6], $0x80, s3, s6, $0xb8;
	[tilespmem:$0x14500] =	vst v63  }
0xd: {  	s8 =	simm.s32 $0x7500  }
0xe: {  	[tilespmem:s8], [sflag:$0x2] =	stream.indirect.gather [hbm4b:s2+s6], $0x80, s6, s6, $0xb8;
	[tilespmem:$0x14500] =	vst v63  }
0xf: {  	s9 =	simm.s32 $0x1A0;
	s11 =	simm.s32 $0xDD00;
	s10 =	simm.s32 $0x1  }
0x10: {  	[tilespmem:s11], [sflag:$0x3] =	stream.indirect.gather [hbm4b:s2+s6], $0x80, s9, s6, $0xb8;
	[tilespmem:$0x14500] =	vst v63  }
0x11: {  	_ =	swait.ge [sflag:s10], $0x6800  }
0x12: {  	[sflag:s10] =	ssyncset.done $0x0  }
0x13: {  	s12 =	simm.s32 $0x270;
	s13 =	simm.s32 $0x2;
	[sflag:s10] =	ssyncadd.s32 $0xFFFF9800  }
0x14: {  	[tilespmem:s7], [sflag:$0x1] =	stream.indirect.gather [hbm4b:s2+s6], $0x80, s12, s6, $0xb8;
	[tilespmem:$0x14500] =	vst v63  }
0x15: {  	_ =	swait.ge [sflag:s13], $0x6800  }
0x16: {  	[sflag:s13] =	ssyncset.done $0x0  }
0x17: {  	s14 =	simm.s32 $0x340;
	s15 =	simm.s32 $0x3;
	[sflag:s13] =	ssyncadd.s32 $0xFFFF9800  }
0x18: {  	[tilespmem:s8], [sflag:$0x2] =	stream.indirect.gather [hbm4b:s2+s6], $0x80, s14, s6, $0xb8;
	[tilespmem:$0x14500] =	vst v63  }
0x19: {  	_ =	swait.ge [sflag:s15], $0x6800  }
0x1a: {  	[sflag:s15] =	ssyncset.done $0x0  }
0x1b: {  	s16 =	simm.s32 $0x410;
	[sflag:s15] =	ssyncadd.s32 $0xFFFF9800  }
0x1c: {  	[tilespmem:s11], [sflag:$0x3] =	stream.indirect.gather [hbm4b:s2+s6], $0x80, s16, s6, $0xb8;
	[tilespmem:$0x14500] =	vst v63  }
0x1d: {  	_ =	swait.ge [sflag:s10], $0x6800  }
0x1e: {  	[sflag:s10] =	ssyncset.done $0x0  }
0x1f: {  	s17 =	simm.s32 $0x4E0;
	[sflag:s10] =	ssyncadd.s32 $0xFFFF9800  }
0x20: {  	[tilespmem:s7], [sflag:$0x1] =	stream.indirect.gather [hbm4b:s2+s6], $0x80, s17, s6, $0xb8;
	[tilespmem:$0x14500] =	vst v63  }
0x21: {  	_ =	swait.ge [sflag:s13], $0x6800  }
0x22: {  	[sflag:s13] =	ssyncset.done $0x0  }
0x23: {  	s18 =	simm.s32 $0x5B0;
	[sflag:s13] =	ssyncadd.s32 $0xFFFF9800  }
0x24: {  	[tilespmem:s8], [sflag:$0x2] =	stream.indirect.gather [hbm4b:s2+s6], $0x80, s18, s6, $0xb8;
	[tilespmem:$0x14500] =	vst v63  }
0x25: {  	_ =	swait.ge [sflag:s15], $0x6800  }
0x26: {  	[sflag:s15] =	ssyncset.done $0x0  }
0x27: {  	s19 =	simm.s32 $0x680;
	[sflag:s15] =	ssyncadd.s32 $0xFFFF9800  }
0x28: {  	[tilespmem:s11], [sflag:$0x3] =	stream.indirect.gather [hbm4b:s2+s6], $0x80, s19, s6, $0xb8;
	[tilespmem:$0x14500] =	vst v63  }
0x29: {  	_ =	swait.ge [sflag:s10], $0x6800  }
0x2a: {  	[sflag:s10] =	ssyncset.done $0x0  }
0x2b: {  	s20 =	simm.s32 $0x750;
	[sflag:s10] =	ssyncadd.s32 $0xFFFF9800  }
0x2c: {  	[tilespmem:s7], [sflag:$0x1] =	stream.indirect.gather [hbm4b:s2+s6], $0x80, s20, s6, $0xb8;
	[tilespmem:$0x14500] =	vst v63  }
0x2d: {  	_ =	swait.ge [sflag:s13], $0x6800  }
0x2e: {  	[sflag:s13] =	ssyncset.done $0x0  }
0x2f: {  	s21 =	simm.s32 $0x820;
	[sflag:s13] =	ssyncadd.s32 $0xFFFF9800  }
0x30: {  	[tilespmem:s8], [sflag:$0x2] =	stream.indirect.gather [hbm4b:s2+s6], $0x80, s21, s6, $0xb8;
	[tilespmem:$0x14500] =	vst v63  }
0x31: {  	_ =	swait.ge [sflag:s15], $0x6800  }
0x32: {  	[sflag:s15] =	ssyncset.done $0x0  }
0x33: {  	s22 =	simm.s32 $0x8F0;
	[sflag:s15] =	ssyncadd.s32 $0xFFFF9800  }
0x34: {  	[tilespmem:s11], [sflag:$0x3] =	stream.indirect.gather [hbm4b:s2+s6], $0x80, s22, s6, $0xb8;
	[tilespmem:$0x14500] =	vst v63  }
0x35: {  	_ =	swait.ge [sflag:s10], $0x6800  }
0x36: {  	[sflag:s10] =	ssyncset.done $0x0  }
0x37: {  	s23 =	simm.s32 $0x9C0;
	[sflag:s10] =	ssyncadd.s32 $0xFFFF9800  }
0x38: {  	[tilespmem:s7], [sflag:$0x1] =	stream.indirect.gather [hbm4b:s2+s6], $0x80, s23, s6, $0xb8;
	[tilespmem:$0x14500] =	vst v63  }
0x39: {  	_ =	swait.ge [sflag:s13], $0x6800  }
0x3a: {  	[sflag:s13] =	ssyncset.done $0x0  }
0x3b: {  	s24 =	simm.s32 $0xA90;
	[sflag:s13] =	ssyncadd.s32 $0xFFFF9800  }
0x3c: {  	[tilespmem:s8], [sflag:$0x2] =	stream.indirect.gather [hbm4b:s2+s6], $0x80, s24, s6, $0xb8;
	[tilespmem:$0x14500] =	vst v63  }
0x3d: {  	_ =	swait.ge [sflag:s15], $0x6800  }
0x3e: {  	[sflag:s15] =	ssyncset.done $0x0  }
0x3f: {  	s25 =	simm.s32 $0xB60;
	[sflag:s15] =	ssyncadd.s32 $0xFFFF9800  }
0x40: {  	[tilespmem:s11], [sflag:$0x3] =	stream.indirect.gather [hbm4b:s2+s6], $0x80, s25, s6, $0xb8;
	[tilespmem:$0x14500] =	vst v63  }
0x41: {  	_ =	swait.ge [sflag:s10], $0x6800  }
0x42: {  	s28 =	ssub.s32 $0x2, s28;
	[sflag:s10] =	ssyncset.done $0x0  }
0x43: {  	s26 =	simm.s32 $0xC30;
	s29 =	sshrl.u32 s28, $0x1;
	[sflag:s10] =	ssyncadd.s32 $0xFFFF9800  }
0x44: {  	[tilespmem:s7], [sflag:$0x1] =	stream.indirect.gather [hbm4b:s2+s6], $0x80, s26, s6, $0xb8;
	[tilespmem:$0x14500] =	vst v63  }
0x45: {  	s28 =	ssub.s32 s28, s29;
	_ =	swait.ge [sflag:s13], $0x6800  }
0x46: {  	s28 =	smax.u32 s28, $0x1;
	[sflag:s13] =	ssyncset.done $0x0  }
0x47: {  	p0 =	sne.s32 s28, $0x1;
	[sflag:s13] =	ssyncadd.s32 $0xFFFF9800  }
.Ltmp0:
0x48: {  	_ =	swait.ge [sflag:s15], $0x6800;
	(pc) =	sbr.rel @!p0 .LBB2_2-.Ltmp0, $4  }
0x49: {  	[sflag:s15] =	ssyncset.done $0x0  }
0x4a: {  	[sflag:s15] =	ssyncadd.s32 $0xFFFF9800  }
0x4b: {  	_ =	swait.ge [sflag:s10], $0x6800  }
0x4c: {  	s28 =	sadd.s32 $0xFFFFFFFF, s28;
	[sflag:s10] =	ssyncset.done $0x0  }
.LBB2_1:
0x4d: {  	p0 =	sne.s32 s28, $0x1;
	s28 =	sadd.s32 $0xFFFFFFFF, s28;
	[sflag:s10] =	ssyncadd.s32 $0xFFFF9800  }
0x4e: {  	[tilespmem:s3], [sflag:$0x4] =	stream.linear.gather [hbm4b:s4+s3], $0xD00, $0x38;
	[tilespmem:$0x14500] =	vst v63  }
0x4f: {  	_ =	swait.ge [sflag:s5], $0xD00  }
0x50: {  	[sflag:s5] =	ssyncset.done $0x0  }
0x51: {  	[sflag:s5] =	ssyncadd.s32 $0xFFFFF300  }
0x52: {  	[tilespmem:s7], [sflag:$0x1] =	stream.indirect.gather [hbm4b:s2+s6], $0x80, s3, s6, $0xb8;
	[tilespmem:$0x14500] =	vst v63  }
0x53: {  	_ = 	snop  }
0x54: {  	[tilespmem:s8], [sflag:$0x2] =	stream.indirect.gather [hbm4b:s2+s6], $0x80, s6, s6, $0xb8;
	[tilespmem:$0x14500] =	vst v63  }
0x55: {  	_ = 	snop  }
0x56: {  	[tilespmem:s11], [sflag:$0x3] =	stream.indirect.gather [hbm4b:s2+s6], $0x80, s9, s6, $0xb8;
	[tilespmem:$0x14500] =	vst v63  }
0x57: {  	_ =	swait.ge [sflag:s10], $0x6800  }
0x58: {  	[sflag:s10] =	ssyncset.done $0x0  }
0x59: {  	[sflag:s10] =	ssyncadd.s32 $0xFFFF9800  }
0x5a: {  	[tilespmem:s7], [sflag:$0x1] =	stream.indirect.gather [hbm4b:s2+s6], $0x80, s12, s6, $0xb8;
	[tilespmem:$0x14500] =	vst v63  }
0x5b: {  	_ =	swait.ge [sflag:s13], $0x6800  }
0x5c: {  	[sflag:s13] =	ssyncset.done $0x0  }
0x5d: {  	[sflag:s13] =	ssyncadd.s32 $0xFFFF9800  }
0x5e: {  	[tilespmem:s8], [sflag:$0x2] =	stream.indirect.gather [hbm4b:s2+s6], $0x80, s14, s6, $0xb8;
	[tilespmem:$0x14500] =	vst v63  }
0x5f: {  	_ =	swait.ge [sflag:s15], $0x6800  }
0x60: {  	[sflag:s15] =	ssyncset.done $0x0  }
0x61: {  	[sflag:s15] =	ssyncadd.s32 $0xFFFF9800  }
0x62: {  	[tilespmem:s11], [sflag:$0x3] =	stream.indirect.gather [hbm4b:s2+s6], $0x80, s16, s6, $0xb8;
	[tilespmem:$0x14500] =	vst v63  }
0x63: {  	_ =	swait.ge [sflag:s10], $0x6800  }
0x64: {  	[sflag:s10] =	ssyncset.done $0x0  }
0x65: {  	[sflag:s10] =	ssyncadd.s32 $0xFFFF9800  }
0x66: {  	[tilespmem:s7], [sflag:$0x1] =	stream.indirect.gather [hbm4b:s2+s6], $0x80, s17, s6, $0xb8;
	[tilespmem:$0x14500] =	vst v63  }
0x67: {  	_ =	swait.ge [sflag:s13], $0x6800  }
0x68: {  	[sflag:s13] =	ssyncset.done $0x0  }
0x69: {  	[sflag:s13] =	ssyncadd.s32 $0xFFFF9800  }
0x6a: {  	[tilespmem:s8], [sflag:$0x2] =	stream.indirect.gather [hbm4b:s2+s6], $0x80, s18, s6, $0xb8;
	[tilespmem:$0x14500] =	vst v63  }
0x6b: {  	_ =	swait.ge [sflag:s15], $0x6800  }
0x6c: {  	[sflag:s15] =	ssyncset.done $0x0  }
0x6d: {  	[sflag:s15] =	ssyncadd.s32 $0xFFFF9800  }
0x6e: {  	[tilespmem:s11], [sflag:$0x3] =	stream.indirect.gather [hbm4b:s2+s6], $0x80, s19, s6, $0xb8;
	[tilespmem:$0x14500] =	vst v63  }
0x6f: {  	_ =	swait.ge [sflag:s10], $0x6800  }
0x70: {  	[sflag:s10] =	ssyncset.done $0x0  }
0x71: {  	[sflag:s10] =	ssyncadd.s32 $0xFFFF9800  }
0x72: {  	[tilespmem:s7], [sflag:$0x1] =	stream.indirect.gather [hbm4b:s2+s6], $0x80, s20, s6, $0xb8;
	[tilespmem:$0x14500] =	vst v63  }
0x73: {  	_ =	swait.ge [sflag:s13], $0x6800  }
0x74: {  	[sflag:s13] =	ssyncset.done $0x0  }
0x75: {  	[sflag:s13] =	ssyncadd.s32 $0xFFFF9800  }
0x76: {  	[tilespmem:s8], [sflag:$0x2] =	stream.indirect.gather [hbm4b:s2+s6], $0x80, s21, s6, $0xb8;
	[tilespmem:$0x14500] =	vst v63  }
0x77: {  	_ =	swait.ge [sflag:s15], $0x6800  }
0x78: {  	[sflag:s15] =	ssyncset.done $0x0  }
0x79: {  	[sflag:s15] =	ssyncadd.s32 $0xFFFF9800  }
0x7a: {  	[tilespmem:s11], [sflag:$0x3] =	stream.indirect.gather [hbm4b:s2+s6], $0x80, s22, s6, $0xb8;
	[tilespmem:$0x14500] =	vst v63  }
0x7b: {  	_ =	swait.ge [sflag:s10], $0x6800  }
0x7c: {  	[sflag:s10] =	ssyncset.done $0x0  }
0x7d: {  	[sflag:s10] =	ssyncadd.s32 $0xFFFF9800  }
0x7e: {  	[tilespmem:s7], [sflag:$0x1] =	stream.indirect.gather [hbm4b:s2+s6], $0x80, s23, s6, $0xb8;
	[tilespmem:$0x14500] =	vst v63  }
0x7f: {  	_ =	swait.ge [sflag:s13], $0x6800  }
0x80: {  	[sflag:s13] =	ssyncset.done $0x0  }
0x81: {  	[sflag:s13] =	ssyncadd.s32 $0xFFFF9800  }
0x82: {  	[tilespmem:s8], [sflag:$0x2] =	stream.indirect.gather [hbm4b:s2+s6], $0x80, s24, s6, $0xb8;
	[tilespmem:$0x14500] =	vst v63  }
0x83: {  	_ =	swait.ge [sflag:s15], $0x6800  }
0x84: {  	[sflag:s15] =	ssyncset.done $0x0  }
0x85: {  	[sflag:s15] =	ssyncadd.s32 $0xFFFF9800  }
0x86: {  	[tilespmem:s11], [sflag:$0x3] =	stream.indirect.gather [hbm4b:s2+s6], $0x80, s25, s6, $0xb8;
	[tilespmem:$0x14500] =	vst v63  }
0x87: {  	_ =	swait.ge [sflag:s10], $0x6800  }
0x88: {  	[sflag:s10] =	ssyncset.done $0x0  }
0x89: {  	[sflag:s10] =	ssyncadd.s32 $0xFFFF9800  }
0x8a: {  	[tilespmem:s7], [sflag:$0x1] =	stream.indirect.gather [hbm4b:s2+s6], $0x80, s26, s6, $0xb8;
	[tilespmem:$0x14500] =	vst v63  }
0x8b: {  	_ =	swait.ge [sflag:s13], $0x6800  }
0x8c: {  	[sflag:s13] =	ssyncset.done $0x0  }
0x8d: {  	[sflag:s13] =	ssyncadd.s32 $0xFFFF9800  }
.Ltmp1:
0x8e: {  	_ =	swait.ge [sflag:s15], $0x6800;
	(pc) =	sbr.rel @p0 .LBB2_1-.Ltmp1, $4  }
0x8f: {  	[sflag:s15] =	ssyncset.done $0x0  }
0x90: {  	[sflag:s15] =	ssyncadd.s32 $0xFFFF9800  }
0x91: {  	_ =	swait.ge [sflag:s10], $0x6800  }
0x92: {  	[sflag:s10] =	ssyncset.done $0x0  }
.LBB2_2:
0x93: {  	[sflag:s10] =	ssyncadd.s32 $0xFFFF9800  }
0x94: {  	_ =	sfence.sel $0x180000  }
0x95: {  	[bflag:$0x0] =	sbarrier.arrive $0xFFFF  }
0x96: {  	p0 =	sne.s32 s0, $0x0;
	_ =	strace $0x90000047  }
0x97: {  	s0 =	sadd.s32 @!p0 $0x100000, s1;
	[bflag:$0x2] =	sbarrier.arrive $0xFFFF  }
0x98: {  	[sflag:s0] =	ssyncadd.tile.s32 @!p0 $0x1;
	_ =	shalt  }
.Lfunc_end2:
_tile_overlayer_lowered:
.L_overlay_start_2:
0x99: {  	(tag) =	ssettag $0x2  }
0x9a: {  	s0 =	rddreg [dreg:$0x0];
	s2 =	stileid.u32  }
0x9b: {  	s1 =	rddreg [dreg:$0x1];
	p0 =	sne.s32 s2, $0x0  }
0x9c: {  	s3 =	rddreg [dreg:$0x2];
	[bflag:$0x3] =	sbarrier.arrive $0xFFFF;
	s2 =	simm.s32 @!p0 $0x1C04  }
0x9d: {  	[timem:s3], [sflag:s2] =	dma.local @!p0 [hbm:s0], s1  }
0x9e: {  	s0 =	simm.s32 @!p0 $0x4  }
0x9f: {  	_ =	swait.ge @!p0 [sflag:s0], s1  }
0xa0: {  	s1 =	ssub.s32 @!p0 $0x0, s1;
	[sflag:s0] =	ssyncset.done @!p0 $0x0  }
0xa1: {  	[sflag:s0] =	ssyncadd.s32 @!p0 s1  }
0xa2: {  	[bflag:$0x3] =	sbarrier.arrive $0xFFFF  }
0xa3: {  	_ =	shalt  }

</sc_bundles>
